<compile_context>
chip_gen: v7x
topology: tpu7x:2x2x1
jax: 0.10.2.dev20260603
libtpu: 0.0.44.dev20260713+nightly
codegen_flags: <defaults>
</compile_context>

<pallas_src>
import functools

import jax
import jax.numpy as jnp
from jax import lax
from jax.experimental import pallas as pl
from jax.experimental.pallas import tpu as pltpu
from jax.experimental.pallas import tpu_sc as plsc

NUM_HEADS = 16
VOCAB = 65536
HF = 2
BATCH = 16384
MLP_DIM = 64
OUT_DIM = 3
IN_FEATS = NUM_HEADS * HF

NC = 2
NS = 16
NW = NC * NS
LANES = 16


def _sc_gather_body(table_hbm, idx_hbm, out_hbm, tbl_v, idx_v, out_v, sem):
  wid = lax.axis_index("s") * NC + lax.axis_index("c")
  head = wid // 2

  c1 = pltpu.async_copy(table_hbm.at[wid], tbl_v, sem)
  c2 = pltpu.async_copy(idx_hbm.at[head], idx_v, sem)
  c1.wait()
  c2.wait()

  HALF = BATCH // 2

  @pl.loop(0, HALF // LANES)
  def step(i):
    sl0 = pl.ds(i * LANES, LANES)
    sl1 = pl.ds(HALF + i * LANES, LANES)
    out_v[sl0] = plsc.load_gather(tbl_v, [idx_v[sl0]])
    out_v[sl1] = plsc.load_gather(tbl_v, [idx_v[sl1]])

  pltpu.sync_copy(out_v, out_hbm.at[wid])


_sc_gather = functools.partial(
    pl.kernel,
    out_type=jax.ShapeDtypeStruct((NW, BATCH), jnp.float32),
    mesh=plsc.VectorSubcoreMesh(core_axis_name="c", subcore_axis_name="s"),
    scratch_types=[
        pltpu.VMEM((VOCAB,), jnp.float32),
        pltpu.VMEM((BATCH,), jnp.int32),
        pltpu.VMEM((BATCH,), jnp.float32),
        pltpu.SemaphoreType.DMA,
    ],
    compiler_params=pltpu.CompilerParams(
        use_tc_tiling_on_sc=False, needs_layout_passes=False),
)(_sc_gather_body)


def _mlp_body(x_ref, w1t, b1, w2t, b2, w3t, b3, w4t, b4, o_ref):
  x = x_ref[...]
  x = jnp.maximum(
      jnp.dot(w1t[...], x, preferred_element_type=jnp.float32) + b1[...], 0.0)
  x = jnp.maximum(
      jnp.dot(w2t[...], x, preferred_element_type=jnp.float32) + b2[...], 0.0)
  x = jnp.maximum(
      jnp.dot(w3t[...], x, preferred_element_type=jnp.float32) + b3[...], 0.0)
  o_ref[...] = (
      jnp.dot(w4t[...], x, preferred_element_type=jnp.float32) + b4[...])


BBLK = 16384


def _mlp_t(emb, W1t, b1, W2t, b2, W3t, b3, W4t, b4):
  full = lambda i: (0, 0)
  return pl.pallas_call(
      _mlp_body,
      grid=(BATCH // BBLK,),
      in_specs=[
          pl.BlockSpec((IN_FEATS, BBLK), lambda i: (0, i)),
          pl.BlockSpec((MLP_DIM, IN_FEATS), full),
          pl.BlockSpec((MLP_DIM, 1), full),
          pl.BlockSpec((MLP_DIM, MLP_DIM), full),
          pl.BlockSpec((MLP_DIM, 1), full),
          pl.BlockSpec((MLP_DIM, MLP_DIM), full),
          pl.BlockSpec((MLP_DIM, 1), full),
          pl.BlockSpec((OUT_DIM, MLP_DIM), full),
          pl.BlockSpec((OUT_DIM, 1), full),
      ],
      out_specs=pl.BlockSpec((OUT_DIM, BBLK), lambda i: (0, i)),
      out_shape=jax.ShapeDtypeStruct((OUT_DIM, BATCH), jnp.float32),
  )(emb, W1t, b1, W2t, b2, W3t, b3, W4t, b4)


@jax.jit
def kernel(input, tables, W1, b1, W2, b2, W3, b3, W4, b4):
  tables_t = tables.transpose(0, 2, 1).reshape(NW, VOCAB)
  idx_t = input.T
  emb = _sc_gather(tables_t, idx_t)
  out_t = _mlp_t(emb, W1.T, b1.reshape(MLP_DIM, 1), W2.T,
                 b2.reshape(MLP_DIM, 1), W3.T, b3.reshape(MLP_DIM, 1),
                 W4.T, b4.reshape(OUT_DIM, 1))
  return out_t.T

# --- scband reference (transcript-rebuilt; emitter-appended) ---
"""Pipeline reference for scband-lshash-ngp-43619687858999 (READ-ONLY COPY).

The authoritative reference and input builder live on the scoring server;
editing this copy changes nothing except your own understanding.
"""

import jax, jax.numpy as jnp
import numpy as np

NUM_HEADS = 16
VOCAB = 65536
HF = 2
B = 16384
MLP = 64
OUT = 3
IN_FEATS = NUM_HEADS * HF  # 32


def setup_inputs(seed: int = 0) -> dict:
    key = jax.random.key(seed)
    ks = jax.random.split(key, 11)
    inp = {}
    inp["input"] = jax.random.randint(ks[0], (B, NUM_HEADS), 0, VOCAB, dtype=jnp.int32)
    # per-head embedding tables stacked: [NUM_HEADS, VOCAB, HF]
    inp["tables"] = jax.random.normal(ks[1], (NUM_HEADS, VOCAB, HF), dtype=jnp.float32) * 0.01
    # MLP weights: dims [32, 64, 64, 64, 3]
    inp["W1"] = jax.random.normal(ks[2], (IN_FEATS, MLP), dtype=jnp.float32) * (1.0 / np.sqrt(IN_FEATS))
    inp["b1"] = jnp.zeros((MLP,), dtype=jnp.float32)
    inp["W2"] = jax.random.normal(ks[3], (MLP, MLP), dtype=jnp.float32) * (1.0 / np.sqrt(MLP))
    inp["b2"] = jnp.zeros((MLP,), dtype=jnp.float32)
    inp["W3"] = jax.random.normal(ks[4], (MLP, MLP), dtype=jnp.float32) * (1.0 / np.sqrt(MLP))
    inp["b3"] = jnp.zeros((MLP,), dtype=jnp.float32)
    inp["W4"] = jax.random.normal(ks[5], (MLP, OUT), dtype=jnp.float32) * (1.0 / np.sqrt(MLP))
    inp["b4"] = jnp.zeros((OUT,), dtype=jnp.float32)
    return inp


def reference(input, tables, W1, b1, W2, b2, W3, b3, W4, b4):
    # per-head embedding lookup, then concat along feature dim
    embs = [jnp.take(tables[i], input[..., i], axis=0) for i in range(NUM_HEADS)]
    h = jnp.concatenate(embs, axis=-1)  # [B, 32]
    # MLP: Linear+ReLU x3, final Linear (no trailing ReLU)
    h = jnp.maximum(h @ W1 + b1, 0.0)
    h = jnp.maximum(h @ W2 + b2, 0.0)
    h = jnp.maximum(h @ W3 + b3, 0.0)
    out = h @ W4 + b4  # [B, 3]
    return out

if __name__ == "__main__":
    import jax
    _d = setup_inputs()
    print(jax.jit(kernel)(*tuple(_d.values())))

</pallas_src>

<mosaic_0001>
#map = affine_map<(d0, d1) -> (0, 0)>
module attributes {stable_mosaic.version = 14 : i64} {
  func.func @_sc_gather_body(%arg0: i32, %arg1: i32, %arg2: memref<32x65536xf32, #tpu.memory_space<hbm>>, %arg3: memref<16x16384xi32, #tpu.memory_space<hbm>>, %arg4: memref<32x16384xf32, #tpu.memory_space<hbm>>, %arg5: memref<65536xf32, #tpu.memory_space<vmem>>, %arg6: memref<16384xi32, #tpu.memory_space<vmem>>, %arg7: memref<16384xf32, #tpu.memory_space<vmem>>, %arg8: memref<!tpu.dma_semaphore, #tpu.memory_space<semaphore_mem>>) attributes {dimension_semantics = [#tpu.dimension_semantics<core_parallel>, #tpu.dimension_semantics<subcore_parallel>], iteration_bounds = array<i64: 2, 16>, scalar_prefetch = 0 : i64, scratch_operands = 4 : i64, tpu.core_type = #tpu.core_type<sc_vector_subcore>, window_params = [{transform_indices = #map}, {transform_indices = #map}, {transform_indices = #map}]} {
    %mul3A = arith.constant 2 : i32
    %mul3A_0 = arith.muli %arg1, %mul3A : i32
    %add3A = arith.addi %mul3A_0, %arg0 : i32
    %jit3A = arith.constant 2 : i32
    %div3A = arith.divsi %add3A, %jit3A : i32
    %sign3A = arith.constant 0 : i32
    %sign3A_1 = arith.cmpi sgt, %add3A, %sign3A : i32
    %sign3A_2 = arith.extui %sign3A_1 : i1 to i32
    %sign3A_3 = arith.constant 0 : i32
    %sign3A_4 = arith.cmpi slt, %add3A, %sign3A_3 : i32
    %sign3A_5 = arith.extui %sign3A_4 : i1 to i32
    %sign3A_6 = arith.subi %sign3A_2, %sign3A_5 : i32
    %sign3A_7 = arith.constant 0 : i32
    %sign3A_8 = arith.cmpi sgt, %jit3A, %sign3A_7 : i32
    %sign3A_9 = arith.extui %sign3A_8 : i1 to i32
    %sign3A_10 = arith.constant 0 : i32
    %sign3A_11 = arith.cmpi slt, %jit3A, %sign3A_10 : i32
    %sign3A_12 = arith.extui %sign3A_11 : i1 to i32
    %sign3A_13 = arith.subi %sign3A_9, %sign3A_12 : i32
    %ne3A = arith.cmpi ne, %sign3A_6, %sign3A_13 : i32
    %rem3A = arith.remsi %add3A, %jit3A : i32
    %ne3A_14 = arith.constant 0 : i32
    %ne3A_15 = arith.cmpi ne, %rem3A, %ne3A_14 : i32
    %and3A = arith.andi %ne3A, %ne3A_15 : i1
    %sub3A = arith.constant 1 : i32
    %sub3A_16 = arith.subi %div3A, %sub3A : i32
    %select_n3A = arith.select %and3A, %sub3A_16, %div3A : i32
    %dma_start3A = arith.constant 0 : i32
    %dma_start3A_17 = tpu.memref_slice %arg2[%add3A, %dma_start3A] : memref<32x65536xf32, #tpu.memory_space<hbm>> -> memref<1x65536xf32, #tpu.memory_space<hbm>>
    %dma_start3A_18 = tpu.memref_squeeze %dma_start3A_17 : memref<1x65536xf32, #tpu.memory_space<hbm>> -> memref<65536xf32, #tpu.memory_space<hbm>>
    %dma_start3A_19 = arith.constant 0 : i32
    %dma_start3A_20 = tpu.memref_slice %arg2[%add3A, %dma_start3A_19] : memref<32x65536xf32, #tpu.memory_space<hbm>> -> memref<1x65536xf32, #tpu.memory_space<hbm>>
    %dma_start3A_21 = tpu.memref_squeeze %dma_start3A_20 : memref<1x65536xf32, #tpu.memory_space<hbm>> -> memref<65536xf32, #tpu.memory_space<hbm>>
    tpu.enqueue_dma source(%dma_start3A_21 : memref<65536xf32, #tpu.memory_space<hbm>>) target(%arg5 : memref<65536xf32, #tpu.memory_space<vmem>>) target_semaphore(%arg8 : memref<!tpu.dma_semaphore, #tpu.memory_space<semaphore_mem>>)
    %dma_start3A_22 = arith.constant 0 : i32
    %dma_start3A_23 = tpu.memref_slice %arg3[%select_n3A, %dma_start3A_22] : memref<16x16384xi32, #tpu.memory_space<hbm>> -> memref<1x16384xi32, #tpu.memory_space<hbm>>
    %dma_start3A_24 = tpu.memref_squeeze %dma_start3A_23 : memref<1x16384xi32, #tpu.memory_space<hbm>> -> memref<16384xi32, #tpu.memory_space<hbm>>
    %dma_start3A_25 = arith.constant 0 : i32
    %dma_start3A_26 = tpu.memref_slice %arg3[%select_n3A, %dma_start3A_25] : memref<16x16384xi32, #tpu.memory_space<hbm>> -> memref<1x16384xi32, #tpu.memory_space<hbm>>
    %dma_start3A_27 = tpu.memref_squeeze %dma_start3A_26 : memref<1x16384xi32, #tpu.memory_space<hbm>> -> memref<16384xi32, #tpu.memory_space<hbm>>
    tpu.enqueue_dma source(%dma_start3A_27 : memref<16384xi32, #tpu.memory_space<hbm>>) target(%arg6 : memref<16384xi32, #tpu.memory_space<vmem>>) target_semaphore(%arg8 : memref<!tpu.dma_semaphore, #tpu.memory_space<semaphore_mem>>)
    %dma_wait3A = arith.constant 0 : i32
    %dma_wait3A_28 = tpu.memref_slice %arg2[%add3A, %dma_wait3A] : memref<32x65536xf32, #tpu.memory_space<hbm>> -> memref<1x65536xf32, #tpu.memory_space<hbm>>
    %dma_wait3A_29 = tpu.memref_squeeze %dma_wait3A_28 : memref<1x65536xf32, #tpu.memory_space<hbm>> -> memref<65536xf32, #tpu.memory_space<hbm>>
    %dma_wait3A_30 = arith.constant 0 : i32
    %dma_wait3A_31 = tpu.memref_slice %arg2[%add3A, %dma_wait3A_30] : memref<32x65536xf32, #tpu.memory_space<hbm>> -> memref<1x65536xf32, #tpu.memory_space<hbm>>
    %dma_wait3A_32 = tpu.memref_squeeze %dma_wait3A_31 : memref<1x65536xf32, #tpu.memory_space<hbm>> -> memref<65536xf32, #tpu.memory_space<hbm>>
    tpu.wait_dma2 semaphore(%arg8 : memref<!tpu.dma_semaphore, #tpu.memory_space<semaphore_mem>>) src(%dma_wait3A_32 : memref<65536xf32, #tpu.memory_space<hbm>>) dst(%arg5 : memref<65536xf32, #tpu.memory_space<vmem>>)
    %dma_wait3A_33 = arith.constant 0 : i32
    %dma_wait3A_34 = tpu.memref_slice %arg3[%select_n3A, %dma_wait3A_33] : memref<16x16384xi32, #tpu.memory_space<hbm>> -> memref<1x16384xi32, #tpu.memory_space<hbm>>
    %dma_wait3A_35 = tpu.memref_squeeze %dma_wait3A_34 : memref<1x16384xi32, #tpu.memory_space<hbm>> -> memref<16384xi32, #tpu.memory_space<hbm>>
    %dma_wait3A_36 = arith.constant 0 : i32
    %dma_wait3A_37 = tpu.memref_slice %arg3[%select_n3A, %dma_wait3A_36] : memref<16x16384xi32, #tpu.memory_space<hbm>> -> memref<1x16384xi32, #tpu.memory_space<hbm>>
    %dma_wait3A_38 = tpu.memref_squeeze %dma_wait3A_37 : memref<1x16384xi32, #tpu.memory_space<hbm>> -> memref<16384xi32, #tpu.memory_space<hbm>>
    tpu.wait_dma2 semaphore(%arg8 : memref<!tpu.dma_semaphore, #tpu.memory_space<semaphore_mem>>) src(%dma_wait3A_38 : memref<16384xi32, #tpu.memory_space<hbm>>) dst(%arg6 : memref<16384xi32, #tpu.memory_space<vmem>>)
    %scan3A = arith.constant 0 : i32
    %scan3A_39 = arith.constant 512 : i32
    %scan3A_40 = arith.addi %scan3A, %scan3A_39 : i32
    %scan3A_41 = arith.constant 1 : i32
    scf.for %scan3A_43 = %scan3A to %scan3A_40 step %scan3A_41  : i32 {
      %mul3A_44 = arith.constant 1 : i32
      %mul3A_45 = arith.muli %scan3A_43, %mul3A_44 : i32
      %add3A_46 = arith.constant 0 : i32
      %add3A_47 = arith.addi %add3A_46, %mul3A_45 : i32
      %mul3A_48 = arith.constant 16 : i32
      %mul3A_49 = arith.muli %add3A_47, %mul3A_48 : i32
      %mul3A_50 = arith.constant 16 : i32
      %mul3A_51 = arith.muli %add3A_47, %mul3A_50 : i32
      %add3A_52 = arith.constant 8192 : i32
      %add3A_53 = arith.addi %add3A_52, %mul3A_51 : i32
      %get3A = arith.index_cast %mul3A_49 : i32 to index
      %get3A_54 = tpu.vector_load %arg6[%get3A] {strides = array<i32>} : memref<16384xi32, #tpu.memory_space<vmem>>, vector<16xi32>,
      %gather3A = tpu.vector_load_idx %arg5[%get3A_54] : memref<65536xf32, #tpu.memory_space<vmem>>[vector<16xi32>], vector<16xf32>,
      %swap3A = arith.index_cast %mul3A_49 : i32 to index
      %swap3A_55 = tpu.vector_load %arg7[%swap3A] {strides = array<i32>} : memref<16384xf32, #tpu.memory_space<vmem>>, vector<16xf32>,
      tpu.vector_store %arg7[%swap3A], %gather3A {strides = array<i32>} : memref<16384xf32, #tpu.memory_space<vmem>>, vector<16xf32>,
      %get3A_56 = arith.index_cast %add3A_53 : i32 to index
      %get3A_57 = tpu.vector_load %arg6[%get3A_56] {strides = array<i32>} : memref<16384xi32, #tpu.memory_space<vmem>>, vector<16xi32>,
      %gather3A_58 = tpu.vector_load_idx %arg5[%get3A_57] : memref<65536xf32, #tpu.memory_space<vmem>>[vector<16xi32>], vector<16xf32>,
      %swap3A_59 = arith.index_cast %add3A_53 : i32 to index
      %swap3A_60 = tpu.vector_load %arg7[%swap3A_59] {strides = array<i32>} : memref<16384xf32, #tpu.memory_space<vmem>>, vector<16xf32>,
      tpu.vector_store %arg7[%swap3A_59], %gather3A_58 {strides = array<i32>} : memref<16384xf32, #tpu.memory_space<vmem>>, vector<16xf32>,
    }
    %scan3A_42 = arith.constant 512 : i32
    "tpu.region"() ({
      %run_scoped3A = tpu.sem_alloc : memref<!tpu.dma_semaphore, #tpu.memory_space<semaphore_mem>>
      %dma_start3A_43 = arith.constant 0 : i32
      %dma_start3A_44 = tpu.memref_slice %arg4[%add3A, %dma_start3A_43] : memref<32x16384xf32, #tpu.memory_space<hbm>> -> memref<1x16384xf32, #tpu.memory_space<hbm>>
      %dma_start3A_45 = tpu.memref_squeeze %dma_start3A_44 : memref<1x16384xf32, #tpu.memory_space<hbm>> -> memref<16384xf32, #tpu.memory_space<hbm>>
      %dma_start3A_46 = arith.constant 0 : i32
      %dma_start3A_47 = tpu.memref_slice %arg4[%add3A, %dma_start3A_46] : memref<32x16384xf32, #tpu.memory_space<hbm>> -> memref<1x16384xf32, #tpu.memory_space<hbm>>
      %dma_start3A_48 = tpu.memref_squeeze %dma_start3A_47 : memref<1x16384xf32, #tpu.memory_space<hbm>> -> memref<16384xf32, #tpu.memory_space<hbm>>
      tpu.enqueue_dma source(%arg7 : memref<16384xf32, #tpu.memory_space<vmem>>) target(%dma_start3A_48 : memref<16384xf32, #tpu.memory_space<hbm>>) target_semaphore(%run_scoped3A : memref<!tpu.dma_semaphore, #tpu.memory_space<semaphore_mem>>)
      %dma_wait3A_49 = arith.constant 0 : i32
      %dma_wait3A_50 = tpu.memref_slice %arg4[%add3A, %dma_wait3A_49] : memref<32x16384xf32, #tpu.memory_space<hbm>> -> memref<1x16384xf32, #tpu.memory_space<hbm>>
      %dma_wait3A_51 = tpu.memref_squeeze %dma_wait3A_50 : memref<1x16384xf32, #tpu.memory_space<hbm>> -> memref<16384xf32, #tpu.memory_space<hbm>>
      %dma_wait3A_52 = arith.constant 0 : i32
      %dma_wait3A_53 = tpu.memref_slice %arg4[%add3A, %dma_wait3A_52] : memref<32x16384xf32, #tpu.memory_space<hbm>> -> memref<1x16384xf32, #tpu.memory_space<hbm>>
      %dma_wait3A_54 = tpu.memref_squeeze %dma_wait3A_53 : memref<1x16384xf32, #tpu.memory_space<hbm>> -> memref<16384xf32, #tpu.memory_space<hbm>>
      tpu.wait_dma2 semaphore(%run_scoped3A : memref<!tpu.dma_semaphore, #tpu.memory_space<semaphore_mem>>) src(%arg7 : memref<16384xf32, #tpu.memory_space<vmem>>) dst(%dma_wait3A_54 : memref<16384xf32, #tpu.memory_space<hbm>>)
      tpu.yield
    }) : () -> ()
    return
  }
}

module attributes {stable_mosaic.version = 14 : i64} {
  func.func @_mlp_body(%arg0: i32, %arg1: memref<32x16384xf32, #tpu.memory_space<vmem>>, %arg2: memref<64x32xf32, #tpu.memory_space<vmem>>, %arg3: memref<64x1xf32, #tpu.memory_space<vmem>>, %arg4: memref<64x64xf32, #tpu.memory_space<vmem>>, %arg5: memref<64x1xf32, #tpu.memory_space<vmem>>, %arg6: memref<64x64xf32, #tpu.memory_space<vmem>>, %arg7: memref<64x1xf32, #tpu.memory_space<vmem>>, %arg8: memref<3x64xf32, #tpu.memory_space<vmem>>, %arg9: memref<3x1xf32, #tpu.memory_space<vmem>>, %arg10: memref<3x16384xf32, #tpu.memory_space<vmem>>) attributes {dimension_semantics = [#tpu.dimension_semantics<arbitrary>], iteration_bounds = array<i64: 1>, scalar_prefetch = 0 : i64, scratch_operands = 0 : i64, tpu.core_type = #tpu.core_type<tc>, window_params = [{transform_indices = @transform_0, window_bounds = array<i64: 32, 16384>}, {pipeline_mode = #tpu.pipeline_mode<synchronous>, transform_indices = @transform_1, window_bounds = array<i64: 64, 32>}, {pipeline_mode = #tpu.pipeline_mode<synchronous>, transform_indices = @transform_2, window_bounds = array<i64: 64, 1>}, {pipeline_mode = #tpu.pipeline_mode<synchronous>, transform_indices = @transform_3, window_bounds = array<i64: 64, 64>}, {pipeline_mode = #tpu.pipeline_mode<synchronous>, transform_indices = @transform_4, window_bounds = array<i64: 64, 1>}, {pipeline_mode = #tpu.pipeline_mode<synchronous>, transform_indices = @transform_5, window_bounds = array<i64: 64, 64>}, {pipeline_mode = #tpu.pipeline_mode<synchronous>, transform_indices = @transform_6, window_bounds = array<i64: 64, 1>}, {pipeline_mode = #tpu.pipeline_mode<synchronous>, transform_indices = @transform_7, window_bounds = array<i64: 3, 64>}, {pipeline_mode = #tpu.pipeline_mode<synchronous>, transform_indices = @transform_8, window_bounds = array<i64: 3, 1>}, {transform_indices = @transform_9, window_bounds = array<i64: 3, 16384>}]} {
    %get3A = arith.constant 0 : index
    %get3A_0 = arith.constant 0 : index
    %get3A_1 = vector.load %arg1[%get3A, %get3A_0] : memref<32x16384xf32, #tpu.memory_space<vmem>>, vector<32x16384xf32>
    %get3A_2 = arith.constant 0 : index
    %get3A_3 = arith.constant 0 : index
    %get3A_4 = vector.load %arg2[%get3A_2, %get3A_3] : memref<64x32xf32, #tpu.memory_space<vmem>>, vector<64x32xf32>
    %dot_general3A = arith.constant dense<0.000000e+00> : vector<64x16384xf32>
    %dot_general3A_5 = tpu.matmul %get3A_4, %get3A_1, %dot_general3A {dimension_numbers = #tpu.dot_dimension_numbers<[1], [0], [0], [1], [0, 0, 1, 1], [], []>, transpose_lhs_hint = false} : vector<64x32xf32>, vector<32x16384xf32>, vector<64x16384xf32> -> vector<64x16384xf32>
    %get3A_6 = arith.constant 0 : index
    %get3A_7 = arith.constant 0 : index
    %get3A_8 = vector.load %arg3[%get3A_6, %get3A_7] : memref<64x1xf32, #tpu.memory_space<vmem>>, vector<64x1xf32>
    %add3A = vector.broadcast %get3A_8 : vector<64x1xf32> to vector<64x16384xf32>
    %add3A_9 = arith.addf %dot_general3A_5, %add3A : vector<64x16384xf32>
    %max3A = arith.constant 0.000000e+00 : f32
    %max3A_10 = vector.broadcast %max3A : f32 to vector<64x16384xf32>
    %max3A_11 = arith.maximumf %add3A_9, %max3A_10 : vector<64x16384xf32>
    %get3A_12 = arith.constant 0 : index
    %get3A_13 = arith.constant 0 : index
    %get3A_14 = vector.load %arg4[%get3A_12, %get3A_13] : memref<64x64xf32, #tpu.memory_space<vmem>>, vector<64x64xf32>
    %dot_general3A_15 = arith.constant dense<0.000000e+00> : vector<64x16384xf32>
    %dot_general3A_16 = tpu.matmul %get3A_14, %max3A_11, %dot_general3A_15 {dimension_numbers = #tpu.dot_dimension_numbers<[1], [0], [0], [1], [0, 0, 1, 1], [], []>, transpose_lhs_hint = false} : vector<64x64xf32>, vector<64x16384xf32>, vector<64x16384xf32> -> vector<64x16384xf32>
    %get3A_17 = arith.constant 0 : index
    %get3A_18 = arith.constant 0 : index
    %get3A_19 = vector.load %arg5[%get3A_17, %get3A_18] : memref<64x1xf32, #tpu.memory_space<vmem>>, vector<64x1xf32>
    %add3A_20 = vector.broadcast %get3A_19 : vector<64x1xf32> to vector<64x16384xf32>
    %add3A_21 = arith.addf %dot_general3A_16, %add3A_20 : vector<64x16384xf32>
    %max3A_22 = arith.constant 0.000000e+00 : f32
    %max3A_23 = vector.broadcast %max3A_22 : f32 to vector<64x16384xf32>
    %max3A_24 = arith.maximumf %add3A_21, %max3A_23 : vector<64x16384xf32>
    %get3A_25 = arith.constant 0 : index
    %get3A_26 = arith.constant 0 : index
    %get3A_27 = vector.load %arg6[%get3A_25, %get3A_26] : memref<64x64xf32, #tpu.memory_space<vmem>>, vector<64x64xf32>
    %dot_general3A_28 = arith.constant dense<0.000000e+00> : vector<64x16384xf32>
    %dot_general3A_29 = tpu.matmul %get3A_27, %max3A_24, %dot_general3A_28 {dimension_numbers = #tpu.dot_dimension_numbers<[1], [0], [0], [1], [0, 0, 1, 1], [], []>, transpose_lhs_hint = false} : vector<64x64xf32>, vector<64x16384xf32>, vector<64x16384xf32> -> vector<64x16384xf32>
    %get3A_30 = arith.constant 0 : index
    %get3A_31 = arith.constant 0 : index
    %get3A_32 = vector.load %arg7[%get3A_30, %get3A_31] : memref<64x1xf32, #tpu.memory_space<vmem>>, vector<64x1xf32>
    %add3A_33 = vector.broadcast %get3A_32 : vector<64x1xf32> to vector<64x16384xf32>
    %add3A_34 = arith.addf %dot_general3A_29, %add3A_33 : vector<64x16384xf32>
    %max3A_35 = arith.constant 0.000000e+00 : f32
    %max3A_36 = vector.broadcast %max3A_35 : f32 to vector<64x16384xf32>
    %max3A_37 = arith.maximumf %add3A_34, %max3A_36 : vector<64x16384xf32>
    %get3A_38 = arith.constant 0 : index
    %get3A_39 = arith.constant 0 : index
    %get3A_40 = vector.load %arg8[%get3A_38, %get3A_39] : memref<3x64xf32, #tpu.memory_space<vmem>>, vector<3x64xf32>
    %dot_general3A_41 = arith.constant dense<0.000000e+00> : vector<3x16384xf32>
    %dot_general3A_42 = tpu.matmul %get3A_40, %max3A_37, %dot_general3A_41 {dimension_numbers = #tpu.dot_dimension_numbers<[1], [0], [0], [1], [0, 0, 1, 1], [], []>, transpose_lhs_hint = false} : vector<3x64xf32>, vector<64x16384xf32>, vector<3x16384xf32> -> vector<3x16384xf32>
    %get3A_43 = arith.constant 0 : index
    %get3A_44 = arith.constant 0 : index
    %get3A_45 = vector.load %arg9[%get3A_43, %get3A_44] : memref<3x1xf32, #tpu.memory_space<vmem>>, vector<3x1xf32>
    %add3A_46 = vector.broadcast %get3A_45 : vector<3x1xf32> to vector<3x16384xf32>
    %add3A_47 = arith.addf %dot_general3A_42, %add3A_46 : vector<3x16384xf32>
    %swap3A = arith.constant 0 : index
    %swap3A_48 = arith.constant 0 : index
    %swap3A_49 = vector.load %arg10[%swap3A, %swap3A_48] : memref<3x16384xf32, #tpu.memory_space<vmem>>, vector<3x16384xf32>
    tpu.vector_store %arg10[%swap3A, %swap3A_48], %add3A_47 {strides = array<i32>} : memref<3x16384xf32, #tpu.memory_space<vmem>>, vector<3x16384xf32>,
    return
  }
  func.func @transform_0(%arg0: i32) -> (i32, i32) {
    %c0_i32 = arith.constant 0 : i32
    %c0_i32_0 = arith.constant 0 : i32
    return %c0_i32, %arg0 : i32, i32
  }
  func.func @transform_1(%arg0: i32) -> (i32, i32) {
    %c0_i32 = arith.constant 0 : i32
    %c0_i32_0 = arith.constant 0 : i32
    %c0_i32_1 = arith.constant 0 : i32
    return %c0_i32, %c0_i32_0 : i32, i32
  }
  func.func @transform_2(%arg0: i32) -> (i32, i32) {
    %c0_i32 = arith.constant 0 : i32
    %c0_i32_0 = arith.constant 0 : i32
    %c0_i32_1 = arith.constant 0 : i32
    return %c0_i32, %c0_i32_0 : i32, i32
  }
  func.func @transform_3(%arg0: i32) -> (i32, i32) {
    %c0_i32 = arith.constant 0 : i32
    %c0_i32_0 = arith.constant 0 : i32
    %c0_i32_1 = arith.constant 0 : i32
    return %c0_i32, %c0_i32_0 : i32, i32
  }
  func.func @transform_4(%arg0: i32) -> (i32, i32) {
    %c0_i32 = arith.constant 0 : i32
    %c0_i32_0 = arith.constant 0 : i32
    %c0_i32_1 = arith.constant 0 : i32
    return %c0_i32, %c0_i32_0 : i32, i32
  }
  func.func @transform_5(%arg0: i32) -> (i32, i32) {
    %c0_i32 = arith.constant 0 : i32
    %c0_i32_0 = arith.constant 0 : i32
    %c0_i32_1 = arith.constant 0 : i32
    return %c0_i32, %c0_i32_0 : i32, i32
  }
  func.func @transform_6(%arg0: i32) -> (i32, i32) {
    %c0_i32 = arith.constant 0 : i32
    %c0_i32_0 = arith.constant 0 : i32
    %c0_i32_1 = arith.constant 0 : i32
    return %c0_i32, %c0_i32_0 : i32, i32
  }
  func.func @transform_7(%arg0: i32) -> (i32, i32) {
    %c0_i32 = arith.constant 0 : i32
    %c0_i32_0 = arith.constant 0 : i32
    %c0_i32_1 = arith.constant 0 : i32
    return %c0_i32, %c0_i32_0 : i32, i32
  }
  func.func @transform_8(%arg0: i32) -> (i32, i32) {
    %c0_i32 = arith.constant 0 : i32
    %c0_i32_0 = arith.constant 0 : i32
    %c0_i32_1 = arith.constant 0 : i32
    return %c0_i32, %c0_i32_0 : i32, i32
  }
  func.func @transform_9(%arg0: i32) -> (i32, i32) {
    %c0_i32 = arith.constant 0 : i32
    %c0_i32_0 = arith.constant 0 : i32
    return %c0_i32, %arg0 : i32, i32
  }
}

</mosaic_0001>

<sc_bundles>
// kernel: kernel.4.cloned.1.call-start
scs
__scs_entry_jumppad:
0x0: {  	(pc) =	sbr.rel $0x88, $3  }
0x1: {  	(tag) =	ssettag $0x0;
	lr =	simm.s32 $0x1  }
0x2: {  	[smem:$0x3F97] =	sst lr;
	_ =	strace $0xD0000000  }
0x3: {  	_ = 	snop  }
0x4: {  	_ = 	snop  }
0x5: {  	_ = 	snop  }
0x6: {  	_ = 	snop  }
0x7: {  	_ = 	snop  }
__scs_overlays_trampoline_lowered:
0x8: {  	[smem:$0x3FA6] =	sst s0  }
0x9: {  	[smem:$0x3FA7] =	sst s1  }
0xa: {  	[smem:$0x3FA8] =	sst s2  }
0xb: {  	[smem:$0x3FA9] =	sst s3  }
0xc: {  	[smem:$0x3FAA] =	sst s4  }
0xd: {  	[smem:$0x3FAB] =	sst s5  }
0xe: {  	[smem:$0x3FAC] =	sst s6  }
0xf: {  	[smem:$0x3FAD] =	sst s7  }
0x10: {  	[smem:$0x3FAE] =	sst s8  }
0x11: {  	[smem:$0x3FAF] =	sst s9;
	s0 =	simm.s32 @!p0 $0x0  }
0x12: {  	s1 =	sld [smem:$0x3F95];
	s0 =	simm.s32 @p0 $0x1  }
0x13: {  	[smem:$0x3FB0] =	sst s0;
	s0 =	simm.s32 @!p1 $0x0  }
0x14: {  	s2 =	sld [smem:$0x3F94];
	s0 =	simm.s32 @p1 $0x1  }
0x15: {  	[smem:$0x3FB1] =	sst s0;
	s0 =	simm.s32 @!p2 $0x0  }
0x16: {  	s3 =	sld [smem:$0x3FDB];
	s0 =	simm.s32 @p2 $0x1  }
0x17: {  	s4 =	simm.s32 $0x1BF5;
	[smem:$0x3FB3] =	sst s0  }
0x18: {  	s0 =	sld [smem:$0x3F96];
	_ =	swait.ge [sflag:s4], $0x0  }
0x19: {  	s7 =	sld [smem:$0x3F97]  }
0x1a: {  	s8 =	sadd.s32 $0xFFFFE003, lr  }
0x1b: {  	s9 =	sadd.s32 $0xFFFFFEF7, lr;
	s5 =	simm.s32 $0xFFFFFFFF;
	p2 =	slt.u32 s8, $0xFFFFF086  }
0x1c: {  	p1 =	slt.u32 s9, $0xF7A;
	s5 =	simm.s32 @!p2 $0x0  }
0x1d: {  	s5 =	simm.s32 @p1 $0x1;
	p0 =	seq.s32 s7, s2  }
0x1e: {  	s7 =	smul.u32 @!p0 $0xF7A, s2;
	p2 =	seq.s32 @!p0 s5, $0x0  }
0x1f: {  	s9 =	smul.u32 $0xF7A, s1;
	s8 =	simm.s32 @!p0 $0x1BF5;
	p2 =	por !p2, p0  }
0x20: {  	[sflag:s8] =	ssyncset.s32 @!p0 $0xFFFFF086;
	s6 =	sadd.s32 @!p0 s3, s7;
	s7 =	simm.s32 @!p0 $0x108  }
0x21: {  	s3 =	sadd.s32 s3, s9;
	s6 =	sadd.s32 @!p0 $0x88, s6;
	s7 =	simm.s32 @p2 $0x1082  }
0x22: {  	[simem:s7], [sflag:s8] =	dma.local @!p0 [hbm:s6], $0xF7A  }
0x23: {  	s9 =	sor.u32 $0xD0000000, s2;
	s6 =	simm.s32 $0x108;
	_ =	swait.ge @!p0 [sflag:s8], $0x0  }
0x24: {  	s3 =	sadd.s32 $0x88, s3;
	s6 =	simm.s32 @!p1 $0x1082;
	[sflag:s4] =	ssyncset.s32 $0xFFFFF086  }
0x25: {  	[simem:s6], [sflag:s4] =	dma.local [hbm:s3], $0xF7A  }
0x26: {  	[smem:$0x3F97] =	sst s1;
	(tag) =	ssettag s2;
	_ =	strace s9  }
0x27: {  	s1 =	sld [smem:$0x3FA7]  }
0x28: {  	s2 =	sld [smem:$0x3FA8]  }
0x29: {  	s4 =	sld [smem:$0x3FAA]  }
0x2a: {  	p0 =	seq.s32 s5, $0x0;
	s5 =	sld [smem:$0x3FAB]  }
0x2b: {  	s6 =	sld [smem:$0x3FAC]  }
0x2c: {  	s7 =	sld [smem:$0x3FAD]  }
0x2d: {  	s3 =	simm.s32 $0x108;
	s8 =	sld [smem:$0x3FAE]  }
0x2e: {  	s3 =	simm.s32 @!p0 $0x1082;
	s9 =	sld [smem:$0x3FAF]  }
0x2f: {  	lr =	sadd.s32 s0, s3;
	s0 =	sld [smem:$0x3FA6]  }
0x30: {  	s3 =	sld [smem:$0x3FA9]  }
0x31: {  	[smem:$0x3FB2] =	sst s10  }
0x32: {  	s10 =	sld [smem:$0x3FB0];
	_ =	sdelay $0x3  }
0x33: {  	p0 =	seq.s32 s10, $0x1;
	s10 =	sld [smem:$0x3FB2];
	_ =	sdelay $0x3  }
0x34: {  	[smem:$0x3FB2] =	sst s10  }
0x35: {  	s10 =	sld [smem:$0x3FB1];
	_ =	sdelay $0x3  }
0x36: {  	p1 =	seq.s32 s10, $0x1;
	s10 =	sld [smem:$0x3FB2];
	_ =	sdelay $0x3  }
0x37: {  	[smem:$0x3FB2] =	sst s10  }
0x38: {  	s10 =	sld [smem:$0x3FB3]  }
0x39: {  	_ = 	snop;
	(pc) =	sbr.ind lr, $3  }
0x3a: {  	_ = 	snop  }
0x3b: {  	_ = 	snop  }
0x3c: {  	p2 =	seq.s32 s10, $0x1;
	s10 =	sld [smem:$0x3FB2]  }
0x3d: {  	_ =	shalt  }
0x3e: {  	_ =	shalt  }
0x3f: {  	_ =	shalt  }
0x40: {  	_ =	shalt  }
0x41: {  	_ =	shalt  }
0x42: {  	_ =	shalt  }
0x43: {  	_ =	shalt  }
0x44: {  	_ =	shalt  }
0x45: {  	_ =	shalt  }
0x46: {  	_ =	shalt  }
0x47: {  	_ =	shalt  }
0x48: {  	_ =	shalt  }
0x49: {  	_ =	shalt  }
0x4a: {  	_ =	shalt  }
0x4b: {  	_ =	shalt  }
0x4c: {  	_ =	shalt  }
0x4d: {  	_ =	shalt  }
0x4e: {  	_ =	shalt  }
0x4f: {  	_ =	shalt  }
0x50: {  	_ =	shalt  }
0x51: {  	_ =	shalt  }
0x52: {  	_ =	shalt  }
0x53: {  	_ =	shalt  }
0x54: {  	_ =	shalt  }
0x55: {  	_ =	shalt  }
0x56: {  	_ =	shalt  }
0x57: {  	_ =	shalt  }
0x58: {  	_ =	shalt  }
0x59: {  	_ =	shalt  }
0x5a: {  	_ =	shalt  }
0x5b: {  	_ =	shalt  }
0x5c: {  	_ =	shalt  }
0x5d: {  	_ =	shalt  }
0x5e: {  	_ =	shalt  }
0x5f: {  	_ =	shalt  }
0x60: {  	_ =	shalt  }
0x61: {  	_ =	shalt  }
0x62: {  	_ =	shalt  }
0x63: {  	_ =	shalt  }
0x64: {  	_ =	shalt  }
0x65: {  	_ =	shalt  }
0x66: {  	_ =	shalt  }
0x67: {  	_ =	shalt  }
0x68: {  	_ =	shalt  }
0x69: {  	_ =	shalt  }
0x6a: {  	_ =	shalt  }
0x6b: {  	_ =	shalt  }
0x6c: {  	_ =	shalt  }
0x6d: {  	_ =	shalt  }
0x6e: {  	_ =	shalt  }
0x6f: {  	_ =	shalt  }
0x70: {  	_ =	shalt  }
0x71: {  	_ =	shalt  }
0x72: {  	_ =	shalt  }
0x73: {  	_ =	shalt  }
0x74: {  	_ =	shalt  }
0x75: {  	_ =	shalt  }
0x76: {  	_ =	shalt  }
0x77: {  	_ =	shalt  }
0x78: {  	_ =	shalt  }
0x79: {  	_ =	shalt  }
0x7a: {  	_ =	shalt  }
0x7b: {  	_ =	shalt  }
0x7c: {  	_ =	shalt  }
0x7d: {  	_ =	shalt  }
0x7e: {  	_ =	shalt  }
0x7f: {  	_ =	shalt  }
0x80: {  	_ =	shalt  }
0x81: {  	_ =	shalt  }
0x82: {  	_ =	shalt  }
0x83: {  	_ =	shalt  }
0x84: {  	_ =	shalt  }
0x85: {  	_ =	shalt  }
0x86: {  	_ =	shalt  }
0x87: {  	_ =	shalt  }
.Lfunc_end0:
.L_simem_size_0:
called_computation_lowered:
.L_overlay_start_0:
0x88: {  	s2 =	sld [smem:$0x3FD9]  }
0x89: {  	s3 =	sld [smem:$0x3FFE];
	_ =	sdelay $0x1  }
0x8a: {  	s1 =	srdreg.scid  }
0x8b: {  	s0 =	sand.u32 $0x1, s1  }
0x8c: {  	s16 =	sshll.u32 s0, $0xA;
	s2 =	sadd.s32 s3, s2  }
0x8d: {  	s2 =	sadd.s32 s2, s16  }
0x8e: {  	[smem:$0x3FBE] =	sst s2  }
0x8f: {  	_ = 	snop  }
0x90: {  	(tm) =	ssettm $0x1  }
0x91: {  	s17 =	sld [smem:$0x3FFB];
	_ =	sdelay $0x3  }
0x92: {  	_ =	strace s17  }
0x93: {  	s2 =	sld [smem:$0x3FFC];
	_ =	sdelay $0x3  }
0x94: {  	_ =	strace s2  }
0x95: {  	s2 =	sld [smem:$0x3FFD];
	_ =	sdelay $0x3  }
0x96: {  	_ =	strace s2  }
0x97: {  	_ =	strace $0x8FFFFFFF  }
0x98: {  	s18 =	sld [smem:$0x3FDB];
	_ =	sdelay $0x1  }
0x99: {  	s19 =	simm.s32 $_scs_section_size  }
0x9a: {  	s4 =	simm.s32 $_size__tile_overlayer_lowered;
	s5 =	simm.s32 $_tile_overlayer_lowered  }
0x9b: {  	s22 =	simm.s32 $0x1BFF;
	s21 =	sshll.u32 s5, $0x1;
	s2 =	sadd.s32 s19, s18  }
0x9c: {  	s6 =	simm.s32 $0x0;
	s20 =	sshll.u32 s4, $0x1;
	s4 =	sadd.s32 s21, s2  }
0x9d: {  	[timem:s6], [sflag:s22] =	dma.local [hbm:s4], s20  }
0x9e: {  	_ =	swait.ge [sflag:s22], s20  }
0x9f: {  	s3 =	ssub.s32 $0x0, s20;
	[sflag:s22] =	ssyncset.done $0x0  }
0xa0: {  	[sflag:s22] =	ssyncadd.s32 s3;
	_ =	sdelay $0x1  }
0xa1: {  	s23 =	simm.s32 $0x1B8B  }
0xa2: {  	_ =	swait.ge [sflag:s23], $0x1  }
0xa3: {  	[sflag:s23] =	ssyncset.done $0x0  }
0xa4: {  	s25 =	simm.s32 $0x1B8E;
	s24 =	sld [smem:$0x3FFE];
	[sflag:s23] =	ssyncadd.s32 $0xFFFFFFFF  }
0xa5: {  	s26 =	simm.s32 $execute0_lowered;
	[smem:$0x3FD2] =	sst s25  }
0xa6: {  	s4 =	sshll.u32 s26, $0x1;
	_ =	strace $0x80000046;
	[dreg:$0x1] =	wrdreg $0xFFFFFFFF  }
0xa7: {  	s28 =	simm.s32 $_size_execute0_lowered;
	s2 =	sadd.s32 s2, s4;
	[dreg:$0x0] =	wrdreg $0x0  }
0xa8: {  	s4 =	sshll.u32 s28, $0x1;
	[dreg:$0x2] =	wrdreg s2  }
0xa9: {  	[dreg:$0x3] =	wrdreg s4  }
0xaa: {  	[dreg:$0x4] =	wrdreg $0xC0  }
0xab: {  	_ =	task [dreg:s6], $0x5FFFF  }
0xac: {  	[dreg:$0x1] =	wrdreg $0xFFFFFFFF  }
0xad: {  	[dreg:$0x0] =	wrdreg $0x60  }
0xae: {  	[dreg:$0x2] =	wrdreg s24  }
0xaf: {  	[dreg:$0x3] =	wrdreg $0x9  }
0xb0: {  	_ =	task.clear_ibuf [dreg:s6], $0x4FFFF;
	_ =	strace $0x90000046  }
0xb1: {  	s29 =	simm.s32 $0x9;
	_ =	strace $0x80000048  }
0xb2: {  	_ =	swait.ge [sflag:s29], $0x1  }
0xb3: {  	[sflag:s29] =	ssyncadd.s32 $0xFFFFFFFF  }
0xb4: {  	_ =	strace $0x90000048  }
0xb5: {  	_ =	sfence  }
0xb6: {  	s30 =	sld [smem:$0x0];
	_ =	sdelay $0x2  }
0xb7: {  	s31 =	sshll.u32 s1, $0xD;
	s1 =	sshrl.u32 s1, $0x2  }
0xb8: {  	s3 =	sand.u32 $0x4000, s31;
	s1 =	sadd.s32 s1, s30  }
0xb9: {  	s0 =	sor.u32 s3, s0;
	s1 =	sshll.u32 s1, $0x11  }
0xba: {  	s0 =	sor.u32 s1, s0  }
0xbb: {  	s0 =	sadd.s32 $0x8F2B, s0  }
0xbc: {  	[sflag:s0] =	ssyncadd.remote.s32 $0x1  }
0xbd: {  	_ =	sfence.sel $0xFFFF  }
0xbe: {  	[dreg:$0x0] =	wrdreg $0xFFFFFFFF;
	(pc) =	sbr.abs _section_cstart, $3  }
0xbf: {  	[dreg:$0x1] =	wrdreg $0xFFFFFFFF  }
0xc0: {  	_ =	task.clear_ibuf [dreg:s6], $0x2FFFF;
	_ =	strace $0x9FFFFFFF  }
0xc1: {  	(tm) =	ssettm $0x7FFFFFFF  }
tec
execute0_lowered:
.L_overlay_start_1:
0x0: {  	(tag) =	ssettag $0x1  }
0x1: {  	s1 =	srdreg.scid  }
0x2: {  	s0 =	stileid.u32;
	s6 =	rddreg [dreg:$0x0]  }
0x3: {  	s2 =	simm.s32 $0x0;
	s4 =	sand.u32 $0x1, s1;
	s30 =	sshll.u32 s0, $0x1  }
0x4: {  	s3 =	simm.s32 $0x1;
	s10 =	simm.s32 $0x2;
	s5 =	sor.u32 s4, s30  }
0x5: {  	s1 =	rddreg [dreg:$0x1];
	p1 =	seq.s32 s4, $0x1;
	p0 =	seq.s32 s5, $0x0  }
0x6: {  	s11 =	simm.s32 $0x0;
	[smem:$0x7FF] =	sst s2;
	p0 =	por !p0, !p1  }
0x7: {  	_ =	strace $0x80000047;
	s4 =	ssub.s32 $0x2, s4;
	p0 =	por !p0, !p0  }
0x8: {  	s7 =	sshll.u32 s5, $0xD;
	s5 =	sshll.u32 s5, $0xB;
	s3 =	simm.s32 @!p0 $0x0  }
0x9: {  	s31 =	sshrl.u32 s4, $0x1;
	s7 =	sadd.s32 s7, s6;
	s8 =	ssub.s32 s0, s3  }
0xa: {  	s9 =	ssub.s32 s4, s31;
	s4 =	sadd.s32 $0x1600, s7;
	s8 =	sshll.u32 s8, $0xB  }
0xb: {  	s7 =	smax.u32 s9, $0x1;
	s9 =	simm.s32 $0x14000;
	s8 =	sand.u32 $0x1FFFF800, s8  }
0xc: {  	s3 =	simm.s32 $0x1;
	s8 =	sadd.s32 s8, s6;
	s6 =	sadd.s32 s5, s6  }
0xd: {  	s5 =	sadd.s32 $0x41600, s8;
	s6 =	sadd.s32 $0x49600, s6;
	s8 =	simm.s32 $0x10000  }
.LBB2_1:
0xe: {  	[tilespmem:s2], [sflag:$0x1] =	stream.linear.gather [hbm4b:s4+s2], $0x10000, $0x38;
	[tilespmem:$0x18000] =	vst v63  }
0xf: {  	_ = 	snop  }
0x10: {  	[tilespmem:s8], [sflag:$0x1] =	stream.linear.gather [hbm4b:s5+s2], $0x4000, $0x38;
	[tilespmem:$0x18000] =	vst v63  }
0x11: {  	_ =	swait.ge [sflag:s3], $0x10000  }
0x12: {  	[sflag:s3] =	ssyncset.done $0x0  }
0x13: {  	[sflag:s3] =	ssyncadd.s32 $0xFFFF0000  }
0x14: {  	_ =	swait.ge [sflag:s3], $0x4000  }
0x15: {  	[sflag:s3] =	ssyncset.done $0x0  }
0x16: {  	s12 =	simm.s32 $0x0;
	[sflag:s3] =	ssyncadd.s32 $0xFFFFC000  }
0x17: {  	v1 =	vld [tilespmem:s12+$0x10000];
	_ =	sdelay $0x5  }
0x18: {  	v0 =	vld [tilespmem:s12+$0x12000];
	_ =	sdelay $0x1  }
0x19: {  	v1 =	vld.idx.msk [tilespmem:v1+s2+$0x0], $0xffff;
	_ =	sdelay $0x3  }
0x1a: {  	s13 =	simm.s32 $0x10;
	s14 =	simm.s32 $0x80  }
.LBB2_2:
0x1b: {  	p0 =	sne.s32 s14, $0x7FC0;
	v2 =	vld [tilespmem:s13+$0x10000];
	[tilespmem:s12+$0x14000] =	vst v1  }
0x1c: {  	v1 =	vld.idx.msk [tilespmem:v0+s2+$0x0], $0xffff;
	_ =	sdelay $0x5  }
0x1d: {  	v0 =	vld [tilespmem:s13+$0x12000];
	[tilespmem:s12+$0x16000] =	vst v1;
	s12 =	smov.u32 s13  }
0x1e: {  	v1 =	vld.idx.msk [tilespmem:v2+s2+$0x0], $0xffff  }
.Ltmp0:
0x1f: {  	(pc) =	sbr.rel @p0 .LBB2_2-.Ltmp0, $2  }
0x20: {  	_ =	sdelay $0x2  }
0x21: {  	s13 =	sshra.s32 s14, $0x2;
	s14 =	sadd.s32 $0x40, s14  }
0x22: {  	_ =	sdelay $0x1  }
0x23: {  	v2 =	vld [tilespmem:s13+$0x10000]  }
0x24: {  	[tilespmem:s12+$0x14000] =	vst v1  }
0x25: {  	v0 =	vld.idx.msk [tilespmem:v0+s2+$0x0], $0xffff;
	_ =	sdelay $0x3  }
0x26: {  	v1 =	vld [tilespmem:s13+$0x12000]  }
0x27: {  	[tilespmem:s12+$0x16000] =	vst v0  }
0x28: {  	v0 =	vld.idx.msk [tilespmem:v2+s2+$0x0], $0xffff;
	_ =	sdelay $0x4  }
0x29: {  	[tilespmem:s13+$0x14000] =	vst v0  }
0x2a: {  	v0 =	vld.idx.msk [tilespmem:v1+s2+$0x0], $0xffff;
	_ =	sdelay $0x2  }
0x2b: {  	s11 =	sadd.s32 $0x1, s11  }
0x2c: {  	p0 =	sne.s32 s11, s7  }
.Ltmp1:
0x2d: {  	[tilespmem:s13+$0x16000] =	vst v0;
	(pc) =	sbr.rel @p0 .LBB2_1-.Ltmp1, $4  }
0x2e: {  	[hbm4b:s6+s2] =	stream.linear.scatter [tilespmem:s9], [sflag:$0x2], $0x4000, $0x38;
	[tilespmem:$0x18000] =	vst v63  }
0x2f: {  	_ =	swait.ge [sflag:s10], $0x4000  }
0x30: {  	[sflag:s10] =	ssyncset.done $0x0  }
0x31: {  	[sflag:s10] =	ssyncadd.s32 $0xFFFFC000  }
0x32: {  	_ =	sfence.sel $0x180000  }
0x33: {  	[bflag:$0x0] =	sbarrier.arrive $0xFFFF  }
0x34: {  	p0 =	sne.s32 s0, $0x0;
	_ =	strace $0x90000047  }
0x35: {  	s0 =	sadd.s32 @!p0 $0x100000, s1;
	[bflag:$0x2] =	sbarrier.arrive $0xFFFF  }
0x36: {  	[sflag:s0] =	ssyncadd.tile.s32 @!p0 $0x1;
	_ =	shalt  }
.Lfunc_end2:
_tile_overlayer_lowered:
.L_overlay_start_2:
0x37: {  	(tag) =	ssettag $0x2  }
0x38: {  	s0 =	rddreg [dreg:$0x0];
	s2 =	stileid.u32  }
0x39: {  	s1 =	rddreg [dreg:$0x1];
	p0 =	sne.s32 s2, $0x0  }
0x3a: {  	s3 =	rddreg [dreg:$0x2];
	[bflag:$0x3] =	sbarrier.arrive $0xFFFF;
	s2 =	simm.s32 @!p0 $0x1C02  }
0x3b: {  	[timem:s3], [sflag:s2] =	dma.local @!p0 [hbm:s0], s1  }
0x3c: {  	s0 =	simm.s32 @!p0 $0x2  }
0x3d: {  	_ =	swait.ge @!p0 [sflag:s0], s1  }
0x3e: {  	s1 =	ssub.s32 @!p0 $0x0, s1;
	[sflag:s0] =	ssyncset.done @!p0 $0x0  }
0x3f: {  	[sflag:s0] =	ssyncadd.s32 @!p0 s1  }
0x40: {  	[bflag:$0x3] =	sbarrier.arrive $0xFFFF  }
0x41: {  	_ =	shalt  }

</sc_bundles>
